<compile_context>
chip_gen: v7x
topology: tpu7x:2x2x1
jax: 0.10.2.dev20260603
libtpu: 0.0.44.dev20260713+nightly
codegen_flags: <defaults>
</compile_context>

<pallas_src>
import functools

import jax
import jax.numpy as jnp
from jax import lax
from jax.experimental import pallas as pl
from jax.experimental.pallas import tpu as pltpu
from jax.experimental.pallas import tpu_sc as plsc

T_LEN = 1001
PAD = 1024
NUM_STATS = 14
B = 16384
NC = 2
NS = 16
NW = NC * NS
CH = B // NW
L = 16


def _rsqrt(x):
    i = plsc.bitcast(x, jnp.int32)
    i = jnp.int32(0x5F3759DF) - lax.shift_right_logical(i, 1)
    r = plsc.bitcast(i, jnp.float32)
    hx = 0.5 * x
    r = r * (1.5 - hx * r * r)
    return r


@functools.lru_cache(maxsize=1)
def _make_sc_kernel():
    mesh = plsc.VectorSubcoreMesh(core_axis_name="c", subcore_axis_name="s")

    @functools.partial(
        pl.kernel,
        mesh=mesh,
        out_type=jax.ShapeDtypeStruct((NUM_STATS, B), jnp.float32),
        compiler_params=pltpu.CompilerParams(needs_layout_passes=False),
        scratch_types=[
            pltpu.VMEM((PAD,), jnp.float32),
            pltpu.VMEM((CH,), jnp.int32),
            pltpu.VMEM((NUM_STATS, CH), jnp.float32),
            pltpu.SemaphoreType.DMA,
        ],
    )
    def sc_kernel(ab_hbm, t_hbm, out_hbm, ab_v, t_v, out_v, sem):
        wid = lax.axis_index("s") * NC + lax.axis_index("c")
        base = wid * CH
        in1 = pltpu.async_copy(ab_hbm, ab_v.at[pl.ds(0, T_LEN)], sem)
        in2 = pltpu.async_copy(t_hbm.at[pl.ds(base, CH)], t_v, sem)
        in1.wait()
        in2.wait()

        one = jnp.full((L,), 1.0, jnp.float32)

        @plsc.parallel_loop(0, CH, L, unroll=1)
        def body(off):
            idx = t_v[pl.ds(off, L)]
            t2 = jnp.maximum(idx, 1)
            A = plsc.load_gather(ab_v, [idx])
            A2 = plsc.load_gather(ab_v, [t2])
            P2 = plsc.load_gather(ab_v, [t2 - 1])
            P = jnp.where(idx < 1, one, P2)

            betas_bar = 1.0 - A
            alphas = A / P
            betas = 1.0 - alphas
            betas_square = betas * betas
            rs_ab = _rsqrt(A)
            rs_bb = _rsqrt(betas_bar)
            rs_al = _rsqrt(alphas)
            rs_be = _rsqrt(betas)
            sig_sq = (1.0 - A2 / P2) * ((1.0 - P2) / (1.0 - A2))
            rs_sig = _rsqrt(sig_sq)
            vlb = betas_square / (2.0 * sig_sq * alphas * betas_bar)

            sl = pl.ds(off, L)
            out_v[0, sl] = A
            out_v[1, sl] = betas_bar
            out_v[2, sl] = A * rs_ab
            out_v[3, sl] = betas_bar * rs_bb
            out_v[4, sl] = alphas
            out_v[5, sl] = betas
            out_v[6, sl] = alphas * rs_al
            out_v[7, sl] = betas * rs_be
            out_v[8, sl] = betas_square
            out_v[9, sl] = sig_sq
            out_v[10, sl] = sig_sq * rs_sig
            out_v[11, sl] = rs_al
            out_v[12, sl] = rs_bb
            out_v[13, sl] = vlb

        pltpu.sync_copy(out_v, out_hbm.at[:, pl.ds(base, CH)])

    return sc_kernel


def kernel(alphas_bar, t):
    return _make_sc_kernel()(alphas_bar.astype(jnp.float32),
                             t.astype(jnp.int32))

# --- scband reference (transcript-rebuilt; emitter-appended) ---
"""Pipeline reference for scband-noise-schedule-16183436772041 (READ-ONLY COPY).

The authoritative reference and input builder live on the scoring server;
editing this copy changes nothing except your own understanding.
"""

import jax, jax.numpy as jnp
import numpy as np

T = 1000
B = 16384

def _cosine_alpha_bar(ts):
    # Nichol & Dhariwal cosine schedule: alpha_bar(t) = cos((t+s)/(1+s) * pi/2)^2 / f(0)
    s = 0.008
    f = jnp.cos((ts + s) / (1.0 + s) * (jnp.pi / 2.0)) ** 2
    ab = f / f[0]
    # clip to keep betas_bar strictly positive (avoids inf in inv_sqrt_beta_bar / vlb_weight)
    return jnp.clip(ab, 1e-9, 0.9999)

def setup_inputs(seed: int = 0) -> dict:
    key = jax.random.key(seed)
    t = jax.random.randint(key, (B,), 0, T)
    # pre_compute_statistics: alphas_bar over linspace(0, 1, T+1)
    timesteps = jnp.linspace(0.0, 1.0, T + 1, dtype=jnp.float32)
    alphas_bar = _cosine_alpha_bar(timesteps)
    return {"alphas_bar": alphas_bar, "t": t}

def reference(alphas_bar, t):
    # pre_compute_statistics (Ho et al. notation)
    betas_bar = 1.0 - alphas_bar
    sqrt_alphas_bar = jnp.sqrt(alphas_bar)
    sqrt_betas_bar = jnp.sqrt(betas_bar)
    alphas = jnp.concatenate([alphas_bar[:1], alphas_bar[1:] / alphas_bar[:-1]])
    betas = 1.0 - alphas
    betas_square = betas ** 2
    sqrt_betas = jnp.sqrt(betas)
    sqrt_alphas = jnp.sqrt(alphas)
    inv_sqrt_alphas = 1.0 / sqrt_alphas
    inv_sqrt_betas_bar = 1.0 / sqrt_betas_bar
    # lower_bound posterior variance
    ss = betas[1:] * (betas_bar[:-1] / betas_bar[1:])
    sigmas_square = jnp.concatenate([ss[:1], ss])
    sigmas = jnp.sqrt(sigmas_square)
    vlb_weights = betas ** 2 / (2.0 * sigmas_square * alphas * betas_bar)
    # forward: gather all 14 statistics at timestep indices t
    # (dict values stacked in the original key order)
    tables = jnp.stack([
        alphas_bar, betas_bar, sqrt_alphas_bar, sqrt_betas_bar,
        alphas, betas, sqrt_alphas, sqrt_betas,
        betas_square, sigmas_square, sigmas,
        inv_sqrt_alphas, inv_sqrt_betas_bar, vlb_weights,
    ], axis=0)
    return jnp.take(tables, t, axis=1)

if __name__ == "__main__":
    import jax
    _d = setup_inputs()
    print(jax.jit(kernel)(*tuple(_d.values())))

</pallas_src>

<mosaic_0001>
#map = affine_map<(d0, d1) -> (0)>
#map1 = affine_map<(d0, d1) -> (0, 0)>
module attributes {stable_mosaic.version = 14 : i64} {
  func.func @sc_kernel(%arg0: i32, %arg1: i32, %arg2: memref<1001xf32, #tpu.memory_space<hbm>>, %arg3: memref<16384xi32, #tpu.memory_space<hbm>>, %arg4: memref<14x16384xf32, #tpu.memory_space<hbm>>, %arg5: memref<1024xf32, #tpu.memory_space<vmem>>, %arg6: memref<512xi32, #tpu.memory_space<vmem>>, %arg7: memref<14x512xf32, #tpu.memory_space<vmem>>, %arg8: memref<!tpu.dma_semaphore, #tpu.memory_space<semaphore_mem>>) attributes {dimension_semantics = [#tpu.dimension_semantics<core_parallel>, #tpu.dimension_semantics<subcore_parallel>], iteration_bounds = array<i64: 2, 16>, scalar_prefetch = 0 : i64, scratch_operands = 4 : i64, tpu.core_type = #tpu.core_type<sc_vector_subcore>, window_params = [{transform_indices = #map}, {transform_indices = #map}, {transform_indices = #map1}]} {
    %mul3A = arith.constant 2 : i32
    %mul3A_0 = arith.muli %arg1, %mul3A : i32
    %add3A = arith.addi %mul3A_0, %arg0 : i32
    %mul3A_1 = arith.constant 512 : i32
    %mul3A_2 = arith.muli %add3A, %mul3A_1 : i32
    %dma_start3A = arith.constant 0 : i32
    %dma_start3A_3 = tpu.memref_slice %arg5[%dma_start3A] : memref<1024xf32, #tpu.memory_space<vmem>> -> memref<1001xf32, #tpu.memory_space<vmem>>
    %dma_start3A_4 = arith.constant 0 : i32
    %dma_start3A_5 = tpu.memref_slice %arg5[%dma_start3A_4] : memref<1024xf32, #tpu.memory_space<vmem>> -> memref<1001xf32, #tpu.memory_space<vmem>>
    tpu.enqueue_dma source(%arg2 : memref<1001xf32, #tpu.memory_space<hbm>>) target(%dma_start3A_5 : memref<1001xf32, #tpu.memory_space<vmem>>) target_semaphore(%arg8 : memref<!tpu.dma_semaphore, #tpu.memory_space<semaphore_mem>>)
    %dma_start3A_6 = tpu.memref_slice %arg3[%mul3A_2] : memref<16384xi32, #tpu.memory_space<hbm>> -> memref<512xi32, #tpu.memory_space<hbm>>
    %dma_start3A_7 = tpu.memref_slice %arg3[%mul3A_2] : memref<16384xi32, #tpu.memory_space<hbm>> -> memref<512xi32, #tpu.memory_space<hbm>>
    tpu.enqueue_dma source(%dma_start3A_7 : memref<512xi32, #tpu.memory_space<hbm>>) target(%arg6 : memref<512xi32, #tpu.memory_space<vmem>>) target_semaphore(%arg8 : memref<!tpu.dma_semaphore, #tpu.memory_space<semaphore_mem>>)
    %dma_wait3A = arith.constant 0 : i32
    %dma_wait3A_8 = tpu.memref_slice %arg5[%dma_wait3A] : memref<1024xf32, #tpu.memory_space<vmem>> -> memref<1001xf32, #tpu.memory_space<vmem>>
    %dma_wait3A_9 = arith.constant 0 : i32
    %dma_wait3A_10 = tpu.memref_slice %arg5[%dma_wait3A_9] : memref<1024xf32, #tpu.memory_space<vmem>> -> memref<1001xf32, #tpu.memory_space<vmem>>
    tpu.wait_dma2 semaphore(%arg8 : memref<!tpu.dma_semaphore, #tpu.memory_space<semaphore_mem>>) src(%arg2 : memref<1001xf32, #tpu.memory_space<hbm>>) dst(%dma_wait3A_10 : memref<1001xf32, #tpu.memory_space<vmem>>)
    %dma_wait3A_11 = tpu.memref_slice %arg3[%mul3A_2] : memref<16384xi32, #tpu.memory_space<hbm>> -> memref<512xi32, #tpu.memory_space<hbm>>
    %dma_wait3A_12 = tpu.memref_slice %arg3[%mul3A_2] : memref<16384xi32, #tpu.memory_space<hbm>> -> memref<512xi32, #tpu.memory_space<hbm>>
    tpu.wait_dma2 semaphore(%arg8 : memref<!tpu.dma_semaphore, #tpu.memory_space<semaphore_mem>>) src(%dma_wait3A_12 : memref<512xi32, #tpu.memory_space<hbm>>) dst(%arg6 : memref<512xi32, #tpu.memory_space<vmem>>)
    %broadcast_in_dim3A = arith.constant 1.000000e+00 : f32
    %broadcast_in_dim3A_13 = vector.broadcast %broadcast_in_dim3A : f32 to vector<16xf32>
    %parallel_loop3A = arith.constant 0 : i32
    %parallel_loop3A_14 = arith.constant 512 : i32
    %parallel_loop3A_15 = arith.constant 16 : i32
    scf.for %parallel_loop3A_16 = %parallel_loop3A to %parallel_loop3A_14 step %parallel_loop3A_15  : i32 {
      %parallel_loop3A_17 = arith.index_cast %parallel_loop3A_16 : i32 to index
      %parallel_loop3A_18 = tpu.vector_load %arg6[%parallel_loop3A_17] {strides = array<i32>} : memref<512xi32, #tpu.memory_space<vmem>>, vector<16xi32>,
      %parallel_loop3A_19 = arith.constant 1 : i32
      %parallel_loop3A_20 = vector.broadcast %parallel_loop3A_19 : i32 to vector<16xi32>
      %parallel_loop3A_21 = arith.maxsi %parallel_loop3A_18, %parallel_loop3A_20 : vector<16xi32>
      %parallel_loop3A_22 = tpu.vector_load_idx %arg5[%parallel_loop3A_18] : memref<1024xf32, #tpu.memory_space<vmem>>[vector<16xi32>], vector<16xf32>,
      %parallel_loop3A_23 = tpu.vector_load_idx %arg5[%parallel_loop3A_21] : memref<1024xf32, #tpu.memory_space<vmem>>[vector<16xi32>], vector<16xf32>,
      %parallel_loop3A_24 = arith.constant 1 : i32
      %parallel_loop3A_25 = vector.broadcast %parallel_loop3A_24 : i32 to vector<16xi32>
      %parallel_loop3A_26 = arith.subi %parallel_loop3A_21, %parallel_loop3A_25 : vector<16xi32>
      %parallel_loop3A_27 = tpu.vector_load_idx %arg5[%parallel_loop3A_26] : memref<1024xf32, #tpu.memory_space<vmem>>[vector<16xi32>], vector<16xf32>,
      %parallel_loop3A_28 = arith.constant 1 : i32
      %parallel_loop3A_29 = vector.broadcast %parallel_loop3A_28 : i32 to vector<16xi32>
      %parallel_loop3A_30 = arith.cmpi slt, %parallel_loop3A_18, %parallel_loop3A_29 : vector<16xi32>
      %parallel_loop3A_31 = arith.select %parallel_loop3A_30, %broadcast_in_dim3A_13, %parallel_loop3A_27 : vector<16xi1>, vector<16xf32>
      %parallel_loop3A_32 = arith.constant 1.000000e+00 : f32
      %parallel_loop3A_33 = vector.broadcast %parallel_loop3A_32 : f32 to vector<16xf32>
      %parallel_loop3A_34 = arith.subf %parallel_loop3A_33, %parallel_loop3A_22 : vector<16xf32>
      %parallel_loop3A_35 = arith.divf %parallel_loop3A_22, %parallel_loop3A_31 : vector<16xf32>
      %parallel_loop3A_36 = arith.constant 1.000000e+00 : f32
      %parallel_loop3A_37 = vector.broadcast %parallel_loop3A_36 : f32 to vector<16xf32>
      %parallel_loop3A_38 = arith.subf %parallel_loop3A_37, %parallel_loop3A_35 : vector<16xf32>
      %parallel_loop3A_39 = arith.mulf %parallel_loop3A_38, %parallel_loop3A_38 : vector<16xf32>
      %parallel_loop3A_40 = vector.bitcast %parallel_loop3A_22 : vector<16xf32> to vector<16xi32>
      %parallel_loop3A_41 = arith.constant 1 : i32
      %parallel_loop3A_42 = vector.broadcast %parallel_loop3A_41 : i32 to vector<16xi32>
      %parallel_loop3A_43 = arith.shrui %parallel_loop3A_40, %parallel_loop3A_42 : vector<16xi32>
      %parallel_loop3A_44 = arith.constant 1597463007 : i32
      %parallel_loop3A_45 = vector.broadcast %parallel_loop3A_44 : i32 to vector<16xi32>
      %parallel_loop3A_46 = arith.subi %parallel_loop3A_45, %parallel_loop3A_43 : vector<16xi32>
      %parallel_loop3A_47 = vector.bitcast %parallel_loop3A_46 : vector<16xi32> to vector<16xf32>
      %parallel_loop3A_48 = arith.constant 5.000000e-01 : f32
      %parallel_loop3A_49 = vector.broadcast %parallel_loop3A_48 : f32 to vector<16xf32>
      %parallel_loop3A_50 = arith.mulf %parallel_loop3A_49, %parallel_loop3A_22 : vector<16xf32>
      %parallel_loop3A_51 = arith.mulf %parallel_loop3A_50, %parallel_loop3A_47 : vector<16xf32>
      %parallel_loop3A_52 = arith.mulf %parallel_loop3A_51, %parallel_loop3A_47 : vector<16xf32>
      %parallel_loop3A_53 = arith.constant 1.500000e+00 : f32
      %parallel_loop3A_54 = vector.broadcast %parallel_loop3A_53 : f32 to vector<16xf32>
      %parallel_loop3A_55 = arith.subf %parallel_loop3A_54, %parallel_loop3A_52 : vector<16xf32>
      %parallel_loop3A_56 = arith.mulf %parallel_loop3A_47, %parallel_loop3A_55 : vector<16xf32>
      %parallel_loop3A_57 = vector.bitcast %parallel_loop3A_34 : vector<16xf32> to vector<16xi32>
      %parallel_loop3A_58 = arith.constant 1 : i32
      %parallel_loop3A_59 = vector.broadcast %parallel_loop3A_58 : i32 to vector<16xi32>
      %parallel_loop3A_60 = arith.shrui %parallel_loop3A_57, %parallel_loop3A_59 : vector<16xi32>
      %parallel_loop3A_61 = arith.constant 1597463007 : i32
      %parallel_loop3A_62 = vector.broadcast %parallel_loop3A_61 : i32 to vector<16xi32>
      %parallel_loop3A_63 = arith.subi %parallel_loop3A_62, %parallel_loop3A_60 : vector<16xi32>
      %parallel_loop3A_64 = vector.bitcast %parallel_loop3A_63 : vector<16xi32> to vector<16xf32>
      %parallel_loop3A_65 = arith.constant 5.000000e-01 : f32
      %parallel_loop3A_66 = vector.broadcast %parallel_loop3A_65 : f32 to vector<16xf32>
      %parallel_loop3A_67 = arith.mulf %parallel_loop3A_66, %parallel_loop3A_34 : vector<16xf32>
      %parallel_loop3A_68 = arith.mulf %parallel_loop3A_67, %parallel_loop3A_64 : vector<16xf32>
      %parallel_loop3A_69 = arith.mulf %parallel_loop3A_68, %parallel_loop3A_64 : vector<16xf32>
      %parallel_loop3A_70 = arith.constant 1.500000e+00 : f32
      %parallel_loop3A_71 = vector.broadcast %parallel_loop3A_70 : f32 to vector<16xf32>
      %parallel_loop3A_72 = arith.subf %parallel_loop3A_71, %parallel_loop3A_69 : vector<16xf32>
      %parallel_loop3A_73 = arith.mulf %parallel_loop3A_64, %parallel_loop3A_72 : vector<16xf32>
      %parallel_loop3A_74 = vector.bitcast %parallel_loop3A_35 : vector<16xf32> to vector<16xi32>
      %parallel_loop3A_75 = arith.constant 1 : i32
      %parallel_loop3A_76 = vector.broadcast %parallel_loop3A_75 : i32 to vector<16xi32>
      %parallel_loop3A_77 = arith.shrui %parallel_loop3A_74, %parallel_loop3A_76 : vector<16xi32>
      %parallel_loop3A_78 = arith.constant 1597463007 : i32
      %parallel_loop3A_79 = vector.broadcast %parallel_loop3A_78 : i32 to vector<16xi32>
      %parallel_loop3A_80 = arith.subi %parallel_loop3A_79, %parallel_loop3A_77 : vector<16xi32>
      %parallel_loop3A_81 = vector.bitcast %parallel_loop3A_80 : vector<16xi32> to vector<16xf32>
      %parallel_loop3A_82 = arith.constant 5.000000e-01 : f32
      %parallel_loop3A_83 = vector.broadcast %parallel_loop3A_82 : f32 to vector<16xf32>
      %parallel_loop3A_84 = arith.mulf %parallel_loop3A_83, %parallel_loop3A_35 : vector<16xf32>
      %parallel_loop3A_85 = arith.mulf %parallel_loop3A_84, %parallel_loop3A_81 : vector<16xf32>
      %parallel_loop3A_86 = arith.mulf %parallel_loop3A_85, %parallel_loop3A_81 : vector<16xf32>
      %parallel_loop3A_87 = arith.constant 1.500000e+00 : f32
      %parallel_loop3A_88 = vector.broadcast %parallel_loop3A_87 : f32 to vector<16xf32>
      %parallel_loop3A_89 = arith.subf %parallel_loop3A_88, %parallel_loop3A_86 : vector<16xf32>
      %parallel_loop3A_90 = arith.mulf %parallel_loop3A_81, %parallel_loop3A_89 : vector<16xf32>
      %parallel_loop3A_91 = vector.bitcast %parallel_loop3A_38 : vector<16xf32> to vector<16xi32>
      %parallel_loop3A_92 = arith.constant 1 : i32
      %parallel_loop3A_93 = vector.broadcast %parallel_loop3A_92 : i32 to vector<16xi32>
      %parallel_loop3A_94 = arith.shrui %parallel_loop3A_91, %parallel_loop3A_93 : vector<16xi32>
      %parallel_loop3A_95 = arith.constant 1597463007 : i32
      %parallel_loop3A_96 = vector.broadcast %parallel_loop3A_95 : i32 to vector<16xi32>
      %parallel_loop3A_97 = arith.subi %parallel_loop3A_96, %parallel_loop3A_94 : vector<16xi32>
      %parallel_loop3A_98 = vector.bitcast %parallel_loop3A_97 : vector<16xi32> to vector<16xf32>
      %parallel_loop3A_99 = arith.constant 5.000000e-01 : f32
      %parallel_loop3A_100 = vector.broadcast %parallel_loop3A_99 : f32 to vector<16xf32>
      %parallel_loop3A_101 = arith.mulf %parallel_loop3A_100, %parallel_loop3A_38 : vector<16xf32>
      %parallel_loop3A_102 = arith.mulf %parallel_loop3A_101, %parallel_loop3A_98 : vector<16xf32>
      %parallel_loop3A_103 = arith.mulf %parallel_loop3A_102, %parallel_loop3A_98 : vector<16xf32>
      %parallel_loop3A_104 = arith.constant 1.500000e+00 : f32
      %parallel_loop3A_105 = vector.broadcast %parallel_loop3A_104 : f32 to vector<16xf32>
      %parallel_loop3A_106 = arith.subf %parallel_loop3A_105, %parallel_loop3A_103 : vector<16xf32>
      %parallel_loop3A_107 = arith.mulf %parallel_loop3A_98, %parallel_loop3A_106 : vector<16xf32>
      %parallel_loop3A_108 = arith.divf %parallel_loop3A_23, %parallel_loop3A_27 : vector<16xf32>
      %parallel_loop3A_109 = arith.constant 1.000000e+00 : f32
      %parallel_loop3A_110 = vector.broadcast %parallel_loop3A_109 : f32 to vector<16xf32>
      %parallel_loop3A_111 = arith.subf %parallel_loop3A_110, %parallel_loop3A_108 : vector<16xf32>
      %parallel_loop3A_112 = arith.constant 1.000000e+00 : f32
      %parallel_loop3A_113 = vector.broadcast %parallel_loop3A_112 : f32 to vector<16xf32>
      %parallel_loop3A_114 = arith.subf %parallel_loop3A_113, %parallel_loop3A_27 : vector<16xf32>
      %parallel_loop3A_115 = arith.constant 1.000000e+00 : f32
      %parallel_loop3A_116 = vector.broadcast %parallel_loop3A_115 : f32 to vector<16xf32>
      %parallel_loop3A_117 = arith.subf %parallel_loop3A_116, %parallel_loop3A_23 : vector<16xf32>
      %parallel_loop3A_118 = arith.divf %parallel_loop3A_114, %parallel_loop3A_117 : vector<16xf32>
      %parallel_loop3A_119 = arith.mulf %parallel_loop3A_111, %parallel_loop3A_118 : vector<16xf32>
      %parallel_loop3A_120 = vector.bitcast %parallel_loop3A_119 : vector<16xf32> to vector<16xi32>
      %parallel_loop3A_121 = arith.constant 1 : i32
      %parallel_loop3A_122 = vector.broadcast %parallel_loop3A_121 : i32 to vector<16xi32>
      %parallel_loop3A_123 = arith.shrui %parallel_loop3A_120, %parallel_loop3A_122 : vector<16xi32>
      %parallel_loop3A_124 = arith.constant 1597463007 : i32
      %parallel_loop3A_125 = vector.broadcast %parallel_loop3A_124 : i32 to vector<16xi32>
      %parallel_loop3A_126 = arith.subi %parallel_loop3A_125, %parallel_loop3A_123 : vector<16xi32>
      %parallel_loop3A_127 = vector.bitcast %parallel_loop3A_126 : vector<16xi32> to vector<16xf32>
      %parallel_loop3A_128 = arith.constant 5.000000e-01 : f32
      %parallel_loop3A_129 = vector.broadcast %parallel_loop3A_128 : f32 to vector<16xf32>
      %parallel_loop3A_130 = arith.mulf %parallel_loop3A_129, %parallel_loop3A_119 : vector<16xf32>
      %parallel_loop3A_131 = arith.mulf %parallel_loop3A_130, %parallel_loop3A_127 : vector<16xf32>
      %parallel_loop3A_132 = arith.mulf %parallel_loop3A_131, %parallel_loop3A_127 : vector<16xf32>
      %parallel_loop3A_133 = arith.constant 1.500000e+00 : f32
      %parallel_loop3A_134 = vector.broadcast %parallel_loop3A_133 : f32 to vector<16xf32>
      %parallel_loop3A_135 = arith.subf %parallel_loop3A_134, %parallel_loop3A_132 : vector<16xf32>
      %parallel_loop3A_136 = arith.mulf %parallel_loop3A_127, %parallel_loop3A_135 : vector<16xf32>
      %parallel_loop3A_137 = arith.constant 2.000000e+00 : f32
      %parallel_loop3A_138 = vector.broadcast %parallel_loop3A_137 : f32 to vector<16xf32>
      %parallel_loop3A_139 = arith.mulf %parallel_loop3A_138, %parallel_loop3A_119 : vector<16xf32>
      %parallel_loop3A_140 = arith.mulf %parallel_loop3A_139, %parallel_loop3A_35 : vector<16xf32>
      %parallel_loop3A_141 = arith.mulf %parallel_loop3A_140, %parallel_loop3A_34 : vector<16xf32>
      %parallel_loop3A_142 = arith.divf %parallel_loop3A_39, %parallel_loop3A_141 : vector<16xf32>
      %parallel_loop3A_143 = arith.constant 0 : i32
      %parallel_loop3A_144 = arith.index_cast %parallel_loop3A_143 : i32 to index
      %parallel_loop3A_145 = arith.index_cast %parallel_loop3A_16 : i32 to index
      %parallel_loop3A_146 = tpu.vector_load %arg7[%parallel_loop3A_144, %parallel_loop3A_145] {strides = array<i32>} : memref<14x512xf32, #tpu.memory_space<vmem>>, vector<16xf32>,
      tpu.vector_store %arg7[%parallel_loop3A_144, %parallel_loop3A_145], %parallel_loop3A_22 {strides = array<i32>} : memref<14x512xf32, #tpu.memory_space<vmem>>, vector<16xf32>,
      %parallel_loop3A_147 = arith.constant 1 : i32
      %parallel_loop3A_148 = arith.index_cast %parallel_loop3A_147 : i32 to index
      %parallel_loop3A_149 = arith.index_cast %parallel_loop3A_16 : i32 to index
      %parallel_loop3A_150 = tpu.vector_load %arg7[%parallel_loop3A_148, %parallel_loop3A_149] {strides = array<i32>} : memref<14x512xf32, #tpu.memory_space<vmem>>, vector<16xf32>,
      tpu.vector_store %arg7[%parallel_loop3A_148, %parallel_loop3A_149], %parallel_loop3A_34 {strides = array<i32>} : memref<14x512xf32, #tpu.memory_space<vmem>>, vector<16xf32>,
      %parallel_loop3A_151 = arith.mulf %parallel_loop3A_22, %parallel_loop3A_56 : vector<16xf32>
      %parallel_loop3A_152 = arith.constant 2 : i32
      %parallel_loop3A_153 = arith.index_cast %parallel_loop3A_152 : i32 to index
      %parallel_loop3A_154 = arith.index_cast %parallel_loop3A_16 : i32 to index
      %parallel_loop3A_155 = tpu.vector_load %arg7[%parallel_loop3A_153, %parallel_loop3A_154] {strides = array<i32>} : memref<14x512xf32, #tpu.memory_space<vmem>>, vector<16xf32>,
      tpu.vector_store %arg7[%parallel_loop3A_153, %parallel_loop3A_154], %parallel_loop3A_151 {strides = array<i32>} : memref<14x512xf32, #tpu.memory_space<vmem>>, vector<16xf32>,
      %parallel_loop3A_156 = arith.mulf %parallel_loop3A_34, %parallel_loop3A_73 : vector<16xf32>
      %parallel_loop3A_157 = arith.constant 3 : i32
      %parallel_loop3A_158 = arith.index_cast %parallel_loop3A_157 : i32 to index
      %parallel_loop3A_159 = arith.index_cast %parallel_loop3A_16 : i32 to index
      %parallel_loop3A_160 = tpu.vector_load %arg7[%parallel_loop3A_158, %parallel_loop3A_159] {strides = array<i32>} : memref<14x512xf32, #tpu.memory_space<vmem>>, vector<16xf32>,
      tpu.vector_store %arg7[%parallel_loop3A_158, %parallel_loop3A_159], %parallel_loop3A_156 {strides = array<i32>} : memref<14x512xf32, #tpu.memory_space<vmem>>, vector<16xf32>,
      %parallel_loop3A_161 = arith.constant 4 : i32
      %parallel_loop3A_162 = arith.index_cast %parallel_loop3A_161 : i32 to index
      %parallel_loop3A_163 = arith.index_cast %parallel_loop3A_16 : i32 to index
      %parallel_loop3A_164 = tpu.vector_load %arg7[%parallel_loop3A_162, %parallel_loop3A_163] {strides = array<i32>} : memref<14x512xf32, #tpu.memory_space<vmem>>, vector<16xf32>,
      tpu.vector_store %arg7[%parallel_loop3A_162, %parallel_loop3A_163], %parallel_loop3A_35 {strides = array<i32>} : memref<14x512xf32, #tpu.memory_space<vmem>>, vector<16xf32>,
      %parallel_loop3A_165 = arith.constant 5 : i32
      %parallel_loop3A_166 = arith.index_cast %parallel_loop3A_165 : i32 to index
      %parallel_loop3A_167 = arith.index_cast %parallel_loop3A_16 : i32 to index
      %parallel_loop3A_168 = tpu.vector_load %arg7[%parallel_loop3A_166, %parallel_loop3A_167] {strides = array<i32>} : memref<14x512xf32, #tpu.memory_space<vmem>>, vector<16xf32>,
      tpu.vector_store %arg7[%parallel_loop3A_166, %parallel_loop3A_167], %parallel_loop3A_38 {strides = array<i32>} : memref<14x512xf32, #tpu.memory_space<vmem>>, vector<16xf32>,
      %parallel_loop3A_169 = arith.mulf %parallel_loop3A_35, %parallel_loop3A_90 : vector<16xf32>
      %parallel_loop3A_170 = arith.constant 6 : i32
      %parallel_loop3A_171 = arith.index_cast %parallel_loop3A_170 : i32 to index
      %parallel_loop3A_172 = arith.index_cast %parallel_loop3A_16 : i32 to index
      %parallel_loop3A_173 = tpu.vector_load %arg7[%parallel_loop3A_171, %parallel_loop3A_172] {strides = array<i32>} : memref<14x512xf32, #tpu.memory_space<vmem>>, vector<16xf32>,
      tpu.vector_store %arg7[%parallel_loop3A_171, %parallel_loop3A_172], %parallel_loop3A_169 {strides = array<i32>} : memref<14x512xf32, #tpu.memory_space<vmem>>, vector<16xf32>,
      %parallel_loop3A_174 = arith.mulf %parallel_loop3A_38, %parallel_loop3A_107 : vector<16xf32>
      %parallel_loop3A_175 = arith.constant 7 : i32
      %parallel_loop3A_176 = arith.index_cast %parallel_loop3A_175 : i32 to index
      %parallel_loop3A_177 = arith.index_cast %parallel_loop3A_16 : i32 to index
      %parallel_loop3A_178 = tpu.vector_load %arg7[%parallel_loop3A_176, %parallel_loop3A_177] {strides = array<i32>} : memref<14x512xf32, #tpu.memory_space<vmem>>, vector<16xf32>,
      tpu.vector_store %arg7[%parallel_loop3A_176, %parallel_loop3A_177], %parallel_loop3A_174 {strides = array<i32>} : memref<14x512xf32, #tpu.memory_space<vmem>>, vector<16xf32>,
      %parallel_loop3A_179 = arith.constant 8 : i32
      %parallel_loop3A_180 = arith.index_cast %parallel_loop3A_179 : i32 to index
      %parallel_loop3A_181 = arith.index_cast %parallel_loop3A_16 : i32 to index
      %parallel_loop3A_182 = tpu.vector_load %arg7[%parallel_loop3A_180, %parallel_loop3A_181] {strides = array<i32>} : memref<14x512xf32, #tpu.memory_space<vmem>>, vector<16xf32>,
      tpu.vector_store %arg7[%parallel_loop3A_180, %parallel_loop3A_181], %parallel_loop3A_39 {strides = array<i32>} : memref<14x512xf32, #tpu.memory_space<vmem>>, vector<16xf32>,
      %parallel_loop3A_183 = arith.constant 9 : i32
      %parallel_loop3A_184 = arith.index_cast %parallel_loop3A_183 : i32 to index
      %parallel_loop3A_185 = arith.index_cast %parallel_loop3A_16 : i32 to index
      %parallel_loop3A_186 = tpu.vector_load %arg7[%parallel_loop3A_184, %parallel_loop3A_185] {strides = array<i32>} : memref<14x512xf32, #tpu.memory_space<vmem>>, vector<16xf32>,
      tpu.vector_store %arg7[%parallel_loop3A_184, %parallel_loop3A_185], %parallel_loop3A_119 {strides = array<i32>} : memref<14x512xf32, #tpu.memory_space<vmem>>, vector<16xf32>,
      %parallel_loop3A_187 = arith.mulf %parallel_loop3A_119, %parallel_loop3A_136 : vector<16xf32>
      %parallel_loop3A_188 = arith.constant 10 : i32
      %parallel_loop3A_189 = arith.index_cast %parallel_loop3A_188 : i32 to index
      %parallel_loop3A_190 = arith.index_cast %parallel_loop3A_16 : i32 to index
      %parallel_loop3A_191 = tpu.vector_load %arg7[%parallel_loop3A_189, %parallel_loop3A_190] {strides = array<i32>} : memref<14x512xf32, #tpu.memory_space<vmem>>, vector<16xf32>,
      tpu.vector_store %arg7[%parallel_loop3A_189, %parallel_loop3A_190], %parallel_loop3A_187 {strides = array<i32>} : memref<14x512xf32, #tpu.memory_space<vmem>>, vector<16xf32>,
      %parallel_loop3A_192 = arith.constant 11 : i32
      %parallel_loop3A_193 = arith.index_cast %parallel_loop3A_192 : i32 to index
      %parallel_loop3A_194 = arith.index_cast %parallel_loop3A_16 : i32 to index
      %parallel_loop3A_195 = tpu.vector_load %arg7[%parallel_loop3A_193, %parallel_loop3A_194] {strides = array<i32>} : memref<14x512xf32, #tpu.memory_space<vmem>>, vector<16xf32>,
      tpu.vector_store %arg7[%parallel_loop3A_193, %parallel_loop3A_194], %parallel_loop3A_90 {strides = array<i32>} : memref<14x512xf32, #tpu.memory_space<vmem>>, vector<16xf32>,
      %parallel_loop3A_196 = arith.constant 12 : i32
      %parallel_loop3A_197 = arith.index_cast %parallel_loop3A_196 : i32 to index
      %parallel_loop3A_198 = arith.index_cast %parallel_loop3A_16 : i32 to index
      %parallel_loop3A_199 = tpu.vector_load %arg7[%parallel_loop3A_197, %parallel_loop3A_198] {strides = array<i32>} : memref<14x512xf32, #tpu.memory_space<vmem>>, vector<16xf32>,
      tpu.vector_store %arg7[%parallel_loop3A_197, %parallel_loop3A_198], %parallel_loop3A_73 {strides = array<i32>} : memref<14x512xf32, #tpu.memory_space<vmem>>, vector<16xf32>,
      %parallel_loop3A_200 = arith.constant 13 : i32
      %parallel_loop3A_201 = arith.index_cast %parallel_loop3A_200 : i32 to index
      %parallel_loop3A_202 = arith.index_cast %parallel_loop3A_16 : i32 to index
      %parallel_loop3A_203 = tpu.vector_load %arg7[%parallel_loop3A_201, %parallel_loop3A_202] {strides = array<i32>} : memref<14x512xf32, #tpu.memory_space<vmem>>, vector<16xf32>,
      tpu.vector_store %arg7[%parallel_loop3A_201, %parallel_loop3A_202], %parallel_loop3A_142 {strides = array<i32>} : memref<14x512xf32, #tpu.memory_space<vmem>>, vector<16xf32>,
    } {sc.loop_unroll_factor = 1 : i64, sc.parallel_access}
    "tpu.region"() ({
      %run_scoped3A = tpu.sem_alloc : memref<!tpu.dma_semaphore, #tpu.memory_space<semaphore_mem>>
      %dma_start3A_16 = arith.constant 0 : i32
      %dma_start3A_17 = tpu.memref_slice %arg4[%dma_start3A_16, %mul3A_2] : memref<14x16384xf32, #tpu.memory_space<hbm>> -> memref<14x512xf32, #tpu.memory_space<hbm>>
      %dma_start3A_18 = arith.constant 0 : i32
      %dma_start3A_19 = tpu.memref_slice %arg4[%dma_start3A_18, %mul3A_2] : memref<14x16384xf32, #tpu.memory_space<hbm>> -> memref<14x512xf32, #tpu.memory_space<hbm>>
      tpu.enqueue_dma source(%arg7 : memref<14x512xf32, #tpu.memory_space<vmem>>) target(%dma_start3A_19 : memref<14x512xf32, #tpu.memory_space<hbm>>) target_semaphore(%run_scoped3A : memref<!tpu.dma_semaphore, #tpu.memory_space<semaphore_mem>>)
      %dma_wait3A_20 = arith.constant 0 : i32
      %dma_wait3A_21 = tpu.memref_slice %arg4[%dma_wait3A_20, %mul3A_2] : memref<14x16384xf32, #tpu.memory_space<hbm>> -> memref<14x512xf32, #tpu.memory_space<hbm>>
      %dma_wait3A_22 = arith.constant 0 : i32
      %dma_wait3A_23 = tpu.memref_slice %arg4[%dma_wait3A_22, %mul3A_2] : memref<14x16384xf32, #tpu.memory_space<hbm>> -> memref<14x512xf32, #tpu.memory_space<hbm>>
      tpu.wait_dma2 semaphore(%run_scoped3A : memref<!tpu.dma_semaphore, #tpu.memory_space<semaphore_mem>>) src(%arg7 : memref<14x512xf32, #tpu.memory_space<vmem>>) dst(%dma_wait3A_23 : memref<14x512xf32, #tpu.memory_space<hbm>>)
      tpu.yield
    }) : () -> ()
    return
  }
}

</mosaic_0001>

<sc_bundles>
// kernel: kernel.3.cloned.1.call-start
scs
__scs_entry_jumppad:
0x0: {  	(pc) =	sbr.rel $0x88, $3  }
0x1: {  	(tag) =	ssettag $0x0;
	lr =	simm.s32 $0x1  }
0x2: {  	[smem:$0x3F9F] =	sst lr;
	_ =	strace $0xD0000000  }
0x3: {  	_ = 	snop  }
0x4: {  	_ = 	snop  }
0x5: {  	_ = 	snop  }
0x6: {  	_ = 	snop  }
0x7: {  	_ = 	snop  }
__scs_overlays_trampoline_lowered:
0x8: {  	[smem:$0x3FAE] =	sst s0  }
0x9: {  	[smem:$0x3FAF] =	sst s1  }
0xa: {  	[smem:$0x3FB0] =	sst s2  }
0xb: {  	[smem:$0x3FB1] =	sst s3  }
0xc: {  	[smem:$0x3FB2] =	sst s4  }
0xd: {  	[smem:$0x3FB3] =	sst s5  }
0xe: {  	[smem:$0x3FB4] =	sst s6  }
0xf: {  	[smem:$0x3FB5] =	sst s7  }
0x10: {  	[smem:$0x3FB6] =	sst s8  }
0x11: {  	[smem:$0x3FB7] =	sst s9;
	s0 =	simm.s32 @!p0 $0x0  }
0x12: {  	s1 =	sld [smem:$0x3F9D];
	s0 =	simm.s32 @p0 $0x1  }
0x13: {  	[smem:$0x3FB8] =	sst s0;
	s0 =	simm.s32 @!p1 $0x0  }
0x14: {  	s2 =	sld [smem:$0x3F9C];
	s0 =	simm.s32 @p1 $0x1  }
0x15: {  	[smem:$0x3FB9] =	sst s0;
	s0 =	simm.s32 @!p2 $0x0  }
0x16: {  	s3 =	sld [smem:$0x3FDB];
	s0 =	simm.s32 @p2 $0x1  }
0x17: {  	s4 =	simm.s32 $0x1BF5;
	[smem:$0x3FBB] =	sst s0  }
0x18: {  	s0 =	sld [smem:$0x3F9E];
	_ =	swait.ge [sflag:s4], $0x0  }
0x19: {  	s7 =	sld [smem:$0x3F9F]  }
0x1a: {  	s8 =	sadd.s32 $0xFFFFE003, lr  }
0x1b: {  	s9 =	sadd.s32 $0xFFFFFEF7, lr;
	s5 =	simm.s32 $0xFFFFFFFF;
	p2 =	slt.u32 s8, $0xFFFFF086  }
0x1c: {  	p1 =	slt.u32 s9, $0xF7A;
	s5 =	simm.s32 @!p2 $0x0  }
0x1d: {  	s5 =	simm.s32 @p1 $0x1;
	p0 =	seq.s32 s7, s2  }
0x1e: {  	s7 =	smul.u32 @!p0 $0xF7A, s2;
	p2 =	seq.s32 @!p0 s5, $0x0  }
0x1f: {  	s9 =	smul.u32 $0xF7A, s1;
	s8 =	simm.s32 @!p0 $0x1BF5;
	p2 =	por !p2, p0  }
0x20: {  	[sflag:s8] =	ssyncset.s32 @!p0 $0xFFFFF086;
	s6 =	sadd.s32 @!p0 s3, s7;
	s7 =	simm.s32 @!p0 $0x108  }
0x21: {  	s3 =	sadd.s32 s3, s9;
	s6 =	sadd.s32 @!p0 $0x88, s6;
	s7 =	simm.s32 @p2 $0x1082  }
0x22: {  	[simem:s7], [sflag:s8] =	dma.local @!p0 [hbm:s6], $0xF7A  }
0x23: {  	s9 =	sor.u32 $0xD0000000, s2;
	s6 =	simm.s32 $0x108;
	_ =	swait.ge @!p0 [sflag:s8], $0x0  }
0x24: {  	s3 =	sadd.s32 $0x88, s3;
	s6 =	simm.s32 @!p1 $0x1082;
	[sflag:s4] =	ssyncset.s32 $0xFFFFF086  }
0x25: {  	[simem:s6], [sflag:s4] =	dma.local [hbm:s3], $0xF7A  }
0x26: {  	[smem:$0x3F9F] =	sst s1;
	(tag) =	ssettag s2;
	_ =	strace s9  }
0x27: {  	s1 =	sld [smem:$0x3FAF]  }
0x28: {  	s2 =	sld [smem:$0x3FB0]  }
0x29: {  	s4 =	sld [smem:$0x3FB2]  }
0x2a: {  	p0 =	seq.s32 s5, $0x0;
	s5 =	sld [smem:$0x3FB3]  }
0x2b: {  	s6 =	sld [smem:$0x3FB4]  }
0x2c: {  	s7 =	sld [smem:$0x3FB5]  }
0x2d: {  	s3 =	simm.s32 $0x108;
	s8 =	sld [smem:$0x3FB6]  }
0x2e: {  	s3 =	simm.s32 @!p0 $0x1082;
	s9 =	sld [smem:$0x3FB7]  }
0x2f: {  	lr =	sadd.s32 s0, s3;
	s0 =	sld [smem:$0x3FAE]  }
0x30: {  	s3 =	sld [smem:$0x3FB1]  }
0x31: {  	[smem:$0x3FBA] =	sst s10  }
0x32: {  	s10 =	sld [smem:$0x3FB8];
	_ =	sdelay $0x3  }
0x33: {  	p0 =	seq.s32 s10, $0x1;
	s10 =	sld [smem:$0x3FBA];
	_ =	sdelay $0x3  }
0x34: {  	[smem:$0x3FBA] =	sst s10  }
0x35: {  	s10 =	sld [smem:$0x3FB9];
	_ =	sdelay $0x3  }
0x36: {  	p1 =	seq.s32 s10, $0x1;
	s10 =	sld [smem:$0x3FBA];
	_ =	sdelay $0x3  }
0x37: {  	[smem:$0x3FBA] =	sst s10  }
0x38: {  	s10 =	sld [smem:$0x3FBB]  }
0x39: {  	_ = 	snop;
	(pc) =	sbr.ind lr, $3  }
0x3a: {  	_ = 	snop  }
0x3b: {  	_ = 	snop  }
0x3c: {  	p2 =	seq.s32 s10, $0x1;
	s10 =	sld [smem:$0x3FBA]  }
0x3d: {  	_ =	shalt  }
0x3e: {  	_ =	shalt  }
0x3f: {  	_ =	shalt  }
0x40: {  	_ =	shalt  }
0x41: {  	_ =	shalt  }
0x42: {  	_ =	shalt  }
0x43: {  	_ =	shalt  }
0x44: {  	_ =	shalt  }
0x45: {  	_ =	shalt  }
0x46: {  	_ =	shalt  }
0x47: {  	_ =	shalt  }
0x48: {  	_ =	shalt  }
0x49: {  	_ =	shalt  }
0x4a: {  	_ =	shalt  }
0x4b: {  	_ =	shalt  }
0x4c: {  	_ =	shalt  }
0x4d: {  	_ =	shalt  }
0x4e: {  	_ =	shalt  }
0x4f: {  	_ =	shalt  }
0x50: {  	_ =	shalt  }
0x51: {  	_ =	shalt  }
0x52: {  	_ =	shalt  }
0x53: {  	_ =	shalt  }
0x54: {  	_ =	shalt  }
0x55: {  	_ =	shalt  }
0x56: {  	_ =	shalt  }
0x57: {  	_ =	shalt  }
0x58: {  	_ =	shalt  }
0x59: {  	_ =	shalt  }
0x5a: {  	_ =	shalt  }
0x5b: {  	_ =	shalt  }
0x5c: {  	_ =	shalt  }
0x5d: {  	_ =	shalt  }
0x5e: {  	_ =	shalt  }
0x5f: {  	_ =	shalt  }
0x60: {  	_ =	shalt  }
0x61: {  	_ =	shalt  }
0x62: {  	_ =	shalt  }
0x63: {  	_ =	shalt  }
0x64: {  	_ =	shalt  }
0x65: {  	_ =	shalt  }
0x66: {  	_ =	shalt  }
0x67: {  	_ =	shalt  }
0x68: {  	_ =	shalt  }
0x69: {  	_ =	shalt  }
0x6a: {  	_ =	shalt  }
0x6b: {  	_ =	shalt  }
0x6c: {  	_ =	shalt  }
0x6d: {  	_ =	shalt  }
0x6e: {  	_ =	shalt  }
0x6f: {  	_ =	shalt  }
0x70: {  	_ =	shalt  }
0x71: {  	_ =	shalt  }
0x72: {  	_ =	shalt  }
0x73: {  	_ =	shalt  }
0x74: {  	_ =	shalt  }
0x75: {  	_ =	shalt  }
0x76: {  	_ =	shalt  }
0x77: {  	_ =	shalt  }
0x78: {  	_ =	shalt  }
0x79: {  	_ =	shalt  }
0x7a: {  	_ =	shalt  }
0x7b: {  	_ =	shalt  }
0x7c: {  	_ =	shalt  }
0x7d: {  	_ =	shalt  }
0x7e: {  	_ =	shalt  }
0x7f: {  	_ =	shalt  }
0x80: {  	_ =	shalt  }
0x81: {  	_ =	shalt  }
0x82: {  	_ =	shalt  }
0x83: {  	_ =	shalt  }
0x84: {  	_ =	shalt  }
0x85: {  	_ =	shalt  }
0x86: {  	_ =	shalt  }
0x87: {  	_ =	shalt  }
.Lfunc_end0:
.L_simem_size_0:
called_computation_lowered:
.L_overlay_start_0:
0x88: {  	s2 =	sld [smem:$0x3FD9]  }
0x89: {  	s3 =	sld [smem:$0x3FFE];
	_ =	sdelay $0x1  }
0x8a: {  	s1 =	srdreg.scid  }
0x8b: {  	s0 =	sand.u32 $0x1, s1  }
0x8c: {  	s18 =	sshll.u32 s0, $0xA;
	s2 =	sadd.s32 s3, s2  }
0x8d: {  	s2 =	sadd.s32 s2, s18  }
0x8e: {  	[smem:$0x3FC6] =	sst s2  }
0x8f: {  	_ = 	snop  }
0x90: {  	s2 =	sld [smem:$0x3FC9]  }
0x91: {  	s19 =	sld [smem:$0x3FC8]  }
0x92: {  	s4 =	sld [smem:$0x3FD0];
	(tm) =	ssettm $0x1  }
0x93: {  	s5 =	sld [smem:$0x3FFB];
	_ =	sdelay $0x3  }
0x94: {  	_ =	strace s5  }
0x95: {  	s5 =	sld [smem:$0x3FFC];
	_ =	sdelay $0x3  }
0x96: {  	_ =	strace s5  }
0x97: {  	s5 =	sld [smem:$0x3FFD];
	_ =	sdelay $0x3  }
0x98: {  	_ =	strace s5  }
0x99: {  	_ =	strace $0x8FFFFFFF  }
0x9a: {  	s20 =	sld [smem:$0x3FDB];
	_ =	sdelay $0x1  }
0x9b: {  	s6 =	simm.s32 $_scs_section_size  }
0x9c: {  	s7 =	simm.s32 $_size__tile_overlayer_lowered;
	s8 =	simm.s32 $_tile_overlayer_lowered  }
0x9d: {  	s23 =	simm.s32 $0x1BFF;
	s22 =	sshll.u32 s8, $0x1;
	s5 =	sadd.s32 s6, s20  }
0x9e: {  	s9 =	simm.s32 $0x0;
	s21 =	sshll.u32 s7, $0x1;
	s7 =	sadd.s32 s22, s5  }
0x9f: {  	[timem:s9], [sflag:s23] =	dma.local [hbm:s7], s21  }
0xa0: {  	_ =	swait.ge [sflag:s23], s21  }
0xa1: {  	s6 =	ssub.s32 $0x0, s21;
	[sflag:s23] =	ssyncset.done $0x0  }
0xa2: {  	[sflag:s23] =	ssyncadd.s32 s6;
	_ =	sdelay $0x1  }
0xa3: {  	s24 =	simm.s32 $0x1B8B  }
0xa4: {  	_ =	swait.ge [sflag:s24], $0x1  }
0xa5: {  	[sflag:s24] =	ssyncset.done $0x0  }
0xa6: {  	s25 =	simm.s32 $0x1B8E;
	[sflag:s24] =	ssyncadd.s32 $0xFFFFFFFF  }
0xa7: {  	s26 =	simm.s32 $execute0_lowered;
	[smem:$0x3FD2] =	sst s25  }
0xa8: {  	s6 =	sshll.u32 s26, $0x1;
	_ =	strace $0x80000046;
	[dreg:$0x1] =	wrdreg $0xFFFFFFFF  }
0xa9: {  	s28 =	simm.s32 $_size_execute0_lowered;
	s5 =	sadd.s32 s5, s6;
	[dreg:$0x0] =	wrdreg $0x0  }
0xaa: {  	s6 =	sshll.u32 s28, $0x1;
	[dreg:$0x2] =	wrdreg s5  }
0xab: {  	[dreg:$0x3] =	wrdreg s6  }
0xac: {  	[dreg:$0x4] =	wrdreg $0xC0  }
0xad: {  	_ =	task [dreg:s9], $0x5FFFF  }
0xae: {  	[dreg:$0x1] =	wrdreg $0xFFFFFFFF  }
0xaf: {  	[dreg:$0x0] =	wrdreg $0x60  }
0xb0: {  	[dreg:$0x2] =	wrdreg s2  }
0xb1: {  	[dreg:$0x3] =	wrdreg s19  }
0xb2: {  	[dreg:$0x4] =	wrdreg s4  }
0xb3: {  	[dreg:$0x5] =	wrdreg $0x9  }
0xb4: {  	_ =	task.clear_ibuf [dreg:s9], $0x6FFFF;
	_ =	strace $0x90000046  }
0xb5: {  	s29 =	simm.s32 $0x9;
	_ =	strace $0x80000048  }
0xb6: {  	_ =	swait.ge [sflag:s29], $0x1  }
0xb7: {  	[sflag:s29] =	ssyncadd.s32 $0xFFFFFFFF  }
0xb8: {  	_ =	strace $0x90000048  }
0xb9: {  	_ =	sfence  }
0xba: {  	s30 =	sld [smem:$0x0];
	_ =	sdelay $0x2  }
0xbb: {  	s31 =	sshll.u32 s1, $0xD;
	s1 =	sshrl.u32 s1, $0x2  }
0xbc: {  	s3 =	sand.u32 $0x4000, s31;
	s1 =	sadd.s32 s1, s30  }
0xbd: {  	s0 =	sor.u32 s3, s0;
	s1 =	sshll.u32 s1, $0x11  }
0xbe: {  	s0 =	sor.u32 s1, s0  }
0xbf: {  	s0 =	sadd.s32 $0x8F2B, s0  }
0xc0: {  	[sflag:s0] =	ssyncadd.remote.s32 $0x1  }
0xc1: {  	_ =	sfence.sel $0xFFFF  }
0xc2: {  	[dreg:$0x0] =	wrdreg $0xFFFFFFFF;
	(pc) =	sbr.abs _section_cstart, $3  }
0xc3: {  	[dreg:$0x1] =	wrdreg $0xFFFFFFFF  }
0xc4: {  	_ =	task.clear_ibuf [dreg:s9], $0x2FFFF;
	_ =	strace $0x9FFFFFFF  }
0xc5: {  	(tm) =	ssettm $0x7FFFFFFF  }
tec
execute0_lowered:
.L_overlay_start_1:
0x0: {  	(tag) =	ssettag $0x1  }
0x1: {  	s1 =	rddreg [dreg:$0x0]  }
0x2: {  	s4 =	rddreg [dreg:$0x1]  }
0x3: {  	s5 =	rddreg [dreg:$0x2]  }
0x4: {  	s0 =	rddreg [dreg:$0x3];
	s6 =	srdreg.scid  }
0x5: {  	s3 =	simm.s32 $0x0;
	s2 =	stileid.u32;
	s10 =	simm.s32 $0x600  }
0x6: {  	s11 =	simm.s32 $0x2;
	s12 =	simm.s32 $0x0;
	s6 =	sand.u32 $0x1, s6  }
0x7: {  	s8 =	sshll.u32 s2, $0xA;
	s7 =	ssub.s32 $0x2, s6;
	s6 =	sshll.u32 s6, $0x9  }
0x8: {  	[smem:$0x7FF] =	sst s3;
	s9 =	sshrl.u32 s7, $0x1;
	s6 =	sor.u32 s6, s8  }
0x9: {  	_ =	strace $0x80000047;
	s7 =	ssub.s32 s7, s9;
	s8 =	sshrl.u32 s6, $0x3  }
0xa: {  	s5 =	sadd.s32 s5, s6;
	s9 =	simm.s32 $0x20000;
	s4 =	sadd.s32 s4, s8  }
0xb: {  	s6 =	smax.u32 s7, $0x1;
	s7 =	simm.s32 $0x1;
	s8 =	simm.s32 $0x1000  }
.LBB2_1:
0xc: {  	[tilespmem:s3], [sflag:$0x1] =	stream.linear.gather [hbm4b:s1+s3], $0x3E9, $0x38;
	[tilespmem:$0x2600] =	vst v63  }
0xd: {  	s13 =	simm.s32 $0x400  }
0xe: {  	[tilespmem:s13], [sflag:$0x1] =	stream.linear.gather [hbm4b:s4+s3], $0x200, $0x38;
	[tilespmem:$0x2600] =	vst v63  }
0xf: {  	_ =	swait.ge [sflag:s7], $0x3E9  }
0x10: {  	[sflag:s7] =	ssyncset.done $0x0  }
0x11: {  	[sflag:s7] =	ssyncadd.s32 $0xFFFFFC17  }
0x12: {  	_ =	swait.ge [sflag:s7], $0x200  }
0x13: {  	[sflag:s7] =	ssyncset.done $0x0  }
0x14: {  	[sflag:s7] =	ssyncadd.s32 $0xFFFFFE00  }
0x15: {  	v0 =	vld [tilespmem:s13+$0x0];
	_ =	sdelay $0x4  }
0x16: {  	vm0 =	vlt.s32 v0, $0x1  }
0x17: {  	v1 =	vsel vm0, $0x1, v0  }
0x18: {  	v2 =	vadd.s32 $0xFFFFFFFF, v1;
	_ =	sdelay $0x3  }
0x19: {  	v1 =	vld.idx.msk [tilespmem:v1+s3+$0x0], $0xffff  }
0x1a: {  	v2 =	vld.idx.msk [tilespmem:v2+s3+$0x0], $0xffff;
	_ =	sdelay $0x3  }
0x1b: {  	s28 =	simm.s32 $0x410  }
0x1c: {  	v4 =	vld [tilespmem:s28+$0x0];
	v3 =	vsub.f32 $1.000000000e+00, v1;
	(erf) = vrcp.f32 v2;
	_ =	sdelay $0x1  }
0x1d: {  	(erf) = vrcp.f32 v3;
	_ =	sdelay $0x2  }
0x1e: {  	vm14 =	vlt.s32 v4, $0x1;
	v3 =	vsel vm0, $0x3F800000, v2  }
0x1f: {  	v5 =	vld.idx.msk [tilespmem:v0+s3+$0x0], $0xffff;
	v0 =	vsel vm14, $0x1, v4;
	(erf) = vrcp.f32 v3;
	_ =	sdelay $0x2  }
0x20: {  	v6 =	vadd.s32 $0xFFFFFFFF, v0;
	v3 =	vpop (erf)  }
0x21: {  	v2 =	vsub.f32 $1.000000000e+00, v2;
	v1 =	vmul.f32 v3, v1  }
0x22: {  	v8 =	vld.idx.msk [tilespmem:v0+s3+$0x0], $0xffff;
	v3 =	vpop (erf)  }
0x23: {  	v2 =	vmul.f32 v3, v2;
	v3 =	vshrl.u32 v5, $0x1;
	v1 =	vsub.f32 $1.000000000e+00, v1  }
0x24: {  	v7 =	vmul.f32 $5.000000000e-01, v5;
	v10 =	vsub.f32 $1.000000000e+00, v5  }
0x25: {  	v9 =	vsub.s32 $0x5F3759DF, v3;
	v0 =	vmul.f32 v1, v2;
	v1 =	vld.idx.msk [tilespmem:v6+s3+$0x0], $0xffff  }
0x26: {  	v15 =	vshrl.u32 v10, $0x1;
	v2 =	vmul.f32 v9, v7;
	v3 =	vpop (erf)  }
0x27: {  	v13 =	vsub.f32 $1.000000000e+00, v8;
	v6 =	vmul.f32 v3, v5;
	v3 =	vadd.f32 v0, v0  }
0x28: {  	v23 =	vld.idx.msk [tilespmem:v4+s3+$0x0], $0xffff;
	v2 =	vmul.f32 v9, v2;
	v7 =	vmul.f32 $5.000000000e-01, v0;
	v11 =	vshrl.u32 v0, $0x1  }
0x29: {  	v14 =	vshrl.u32 v6, $0x1;
	v11 =	vsub.s32 $0x5F3759DF, v11;
	v12 =	vmul.f32 v3, v6  }
0x2a: {  	v2 =	vsub.f32 $1.500000000e+00, v2;
	v7 =	vmul.f32 v11, v7;
	(erf) = vrcp.f32 v1  }
0x2b: {  	s29 =	simm.s32 $0x420;
	v4 =	vmul.f32 v12, v10;
	v12 =	vsel vm14, $0x3F800000, v1;
	(erf) = vrcp.f32 v13  }
0x2c: {  	v16 =	vld [tilespmem:s29+$0x0];
	v13 =	vmul.f32 $5.000000000e-01, v10;
	v2 =	vmul.f32 v9, v2;
	v9 =	vsub.s32 $0x5F3759DF, v14  }
0x2d: {  	v14 =	vshrl.u32 v23, $0x1;
	(erf) = vrcp.f32 v12;
	v12 =	vmul.f32 $5.000000000e-01, v6  }
0x2e: {  	(erf) = vrcp.f32 v4;
	v4 =	vsub.s32 $0x5F3759DF, v15;
	v15 =	vmul.f32 $5.000000000e-01, v23  }
0x2f: {  	v18 =	vsub.s32 $0x5F3759DF, v14;
	v17 =	vmul.f32 v2, v5;
	v2 =	vmul.f32 v4, v13  }
0x30: {  	v3 =	vsub.f32 $1.000000000e+00, v6;
	v7 =	vmul.f32 v11, v7;
	v13 =	vmul.f32 v18, v15  }
0x31: {  	vm15 =	vlt.s32 v16, $0x1;
	v12 =	vmul.f32 v9, v12;
	v2 =	vmul.f32 v4, v2  }
0x32: {  	v1 =	vsub.f32 $1.000000000e+00, v1;
	v24 =	vmul.f32 $5.000000000e-01, v3;
	v15 =	vmul.f32 v18, v13  }
0x33: {  	s15 =	simm.s32 $0x0;
	v12 =	vmul.f32 v9, v12;
	v13 =	vsel vm15, $0x1, v16;
	v19 =	vsub.f32 $1.500000000e+00, v2;
	v14 =	vpop (erf)  }
0x34: {  	s14 =	sand.u32 $0xC00, s3;
	s30 =	sand.u32 $0x70, s15;
	v20 =	vadd.s32 $0xFFFFFFFF, v13;
	v15 =	vsub.f32 $1.500000000e+00, v15;
	v8 =	vmul.f32 v14, v8  }
0x35: {  	s18 =	simm.s32 $0x10;
	s16 =	simm.s32 $0x80;
	s14 =	sor.u32 s30, s14;
	v2 =	vmul.f32 v3, v3;
	v12 =	vsub.f32 $1.500000000e+00, v12;
	v14 =	vpop (erf);
	v4 =	vmul.f32 v4, v19  }
0x36: {  	s31 =	sand.u32 $0x70, s18;
	s17 =	sand.u32 $0xC00, s16;
	[tilespmem:s14+$0x600] =	vst v5;
	v21 =	vpop (erf);
	v1 =	vmul.f32 v14, v1;
	v28 =	vmul.f32 v18, v15;
	v22 =	vsub.f32 $1.000000000e+00, v8  }
0x37: {  	s13 =	sor.u32 s31, s17;
	[tilespmem:s14+$0x680] =	vst v10;
	v8 =	vmul.f32 v9, v12;
	v9 =	vsub.f32 $1.500000000e+00, v7;
	v5 =	vmul.f32 v21, v23  }
0x38: {  	[tilespmem:s13+$0x600] =	vst v23;
	v14 =	vpop (erf);
	v12 =	vshrl.u32 v3, $0x1;
	v1 =	vmul.f32 v22, v1;
	v22 =	vmul.f32 v4, v10;
	v10 =	vld.idx.msk [tilespmem:v13+s3+$0x0], $0xffff  }
0x39: {  	[tilespmem:s14+$0x800] =	vst v6;
	v7 =	vmul.f32 v14, v2;
	v12 =	vsub.s32 $0x5F3759DF, v12;
	v11 =	vmul.f32 v11, v9;
	v13 =	vld.idx.msk [tilespmem:v20+s3+$0x0], $0xffff  }
0x3a: {  	[tilespmem:s14+$0x880] =	vst v3;
	v19 =	vmul.f32 v8, v6;
	v9 =	vsub.f32 $1.000000000e+00, v23;
	v6 =	vsub.f32 $1.000000000e+00, v5  }
0x3b: {  	[tilespmem:s14+$0x700] =	vst v17;
	v21 =	vshrl.u32 v5, $0x1;
	v24 =	vmul.f32 v12, v24;
	v20 =	vadd.f32 v1, v1  }
0x3c: {  	[tilespmem:s13+$0x800] =	vst v5;
	v23 =	vmul.f32 v28, v23;
	v14 =	vmul.f32 $5.000000000e-01, v1;
	v17 =	vshrl.u32 v1, $0x1  }
0x3d: {  	v16 =	vld.idx.msk [tilespmem:v16+s3+$0x0], $0xffff;
	[tilespmem:s14+$0x900] =	vst v19;
	v19 =	vmul.f32 $5.000000000e-01, v9;
	v25 =	vmul.f32 v20, v5;
	v26 =	vsub.f32 $1.000000000e+00, v10  }
0x3e: {  	[tilespmem:s14+$0x780] =	vst v22;
	v27 =	vshrl.u32 v9, $0x1;
	v15 =	vshrl.u32 v6, $0x1;
	(erf) = vrcp.f32 v13  }
0x3f: {  	s20 =	simm.s32 $0x20;
	s21 =	simm.s32 $0x430;
	s19 =	sor.u32 s3, s15;
	[tilespmem:s13+$0x880] =	vst v6;
	v22 =	vmul.f32 v25, v9;
	v25 =	vsel vm15, $0x3F800000, v13;
	(erf) = vrcp.f32 v26  }
0x40: {  	s18 =	sor.u32 s16, s18;
	s15 =	simm.s32 $0x20;
	s17 =	sand.u32 $0x70, s20;
	[tilespmem:s13+$0x680] =	vst v9;
	v18 =	vsub.s32 $0x5F3759DF, v27;
	v20 =	vmul.f32 $5.000000000e-01, v5;
	(erf) = vrcp.f32 v25  }
.LBB2_2:
0x41: {  	s20 =	sadd.s32 $0x10, s20;
	v25 =	vld [tilespmem:s21+$0x0];
	v21 =	vsub.s32 $0x5F3759DF, v21;
	(erf) = vrcp.f32 v22;
	v22 =	vmul.f32 v12, v24  }
0x42: {  	v24 =	vshrl.u32 v16, $0x1;
	v26 =	vmul.f32 $5.000000000e-01, v16;
	s22 =	sand.u32 $0x70, s20;
	p0 =	slt.u32 s20, $0x1F0;
	v20 =	vmul.f32 v21, v20;
	[tilespmem:s13+$0x700] =	vst v23;
	v23 =	vmovc v16  }
0x43: {  	v24 =	vsub.s32 $0x5F3759DF, v24;
	v16 =	vmul.f32 v18, v19;
	v19 =	vsub.f32 $1.500000000e+00, v22  }
0x44: {  	v17 =	vsub.s32 $0x5F3759DF, v17;
	v22 =	vmul.f32 v24, v26;
	v20 =	vmul.f32 v21, v20  }
0x45: {  	v13 =	vsub.f32 $1.000000000e+00, v13;
	v16 =	vmul.f32 v18, v16;
	v12 =	vmul.f32 v12, v19  }
0x46: {  	v14 =	vmul.f32 v17, v14;
	v19 =	vmul.f32 v24, v22;
	vm0 =	vlt.s32 v25, $0x1  }
0x47: {  	v16 =	vsub.f32 $1.500000000e+00, v16;
	v22 =	vsel vm0, $0x1, v25;
	v26 =	vpop (erf);
	v30 =	vmul.f32 v12, v3  }
0x48: {  	s23 =	sor.u32 $0x380, s19;
	v27 =	vmul.f32 v11, v0;
	s19 =	smov.u32 s18;
	v12 =	vadd.s32 $0xFFFFFFFF, v22;
	v10 =	vmul.f32 v26, v10;
	v26 =	vpop (erf)  }
0x49: {  	v29 =	vmul.f32 v6, v6;
	v14 =	vmul.f32 v17, v14;
	v11 =	vsub.f32 $1.500000000e+00, v20;
	v28 =	vpop (erf);
	[tilespmem:s23+$0x600] =	vst v30  }
0x4a: {  	v16 =	vmul.f32 v18, v16;
	v13 =	vmul.f32 v26, v13;
	v20 =	vsub.f32 $1.000000000e+00, v10;
	v3 =	vpop (erf);
	[tilespmem:s14+$0x1880] =	vst v7  }
0x4b: {  	v18 =	vmul.f32 v21, v11;
	v11 =	vsub.f32 $1.500000000e+00, v14;
	v7 =	vmul.f32 v3, v29;
	[tilespmem:s14+$0x1800] =	vst v4;
	v3 =	vmovc v6  }
0x4c: {  	v4 =	vmov v16;
	v10 =	vld.idx.msk [tilespmem:v22+s3+$0x0], $0xffff;
	v20 =	vmul.f32 v20, v13;
	v22 =	vmul.f32 v16, v9;
	[tilespmem:s14+$0x1780] =	vst v8  }
0x4d: {  	v11 =	vmul.f32 v17, v11;
	v13 =	vld.idx.msk [tilespmem:v12+s3+$0x0], $0xffff;
	v12 =	vsub.s32 $0x5F3759DF, v15;
	v15 =	vmul.f32 v18, v5;
	[tilespmem:s14+$0x1700] =	vst v27  }
0x4e: {  	v5 =	vmul.f32 v28, v23;
	v14 =	vmul.f32 $5.000000000e-01, v20;
	v16 =	vadd.f32 v20, v20;
	[tilespmem:s14+$0x1600] =	vst v2;
	v2 =	vmovc v29  }
0x4f: {  	s16 =	sadd.s32 $0x80, s16;
	v9 =	vsub.f32 $1.000000000e+00, v23;
	v26 =	vmul.f32 $5.000000000e-01, v3;
	v8 =	vmovc v18;
	v17 =	vshrl.u32 v20, $0x1;
	[tilespmem:s14+$0x1680] =	vst v0;
	v0 =	vmovc v1;
	s14 =	smov.u32 s13  }
0x50: {  	s18 =	sor.u32 s16, s15;
	s15 =	smov.u32 s20;
	v18 =	vsub.f32 $1.500000000e+00, v19;
	v6 =	vsub.f32 $1.000000000e+00, v5;
	s13 =	sand.u32 $0xC00, s16;
	v1 =	vmovc v20;
	v27 =	vmul.f32 v16, v5;
	[tilespmem:s14+$0x900] =	vst v15  }
.Ltmp0:
0x51: {  	v19 =	vmul.f32 $5.000000000e-01, v9;
	v21 =	vshrl.u32 v5, $0x1;
	v20 =	vmul.f32 $5.000000000e-01, v5;
	s13 =	sor.u32 s17, s13;
	s17 =	smov.u32 s22;
	v16 =	vld.idx.msk [tilespmem:v25+s3+$0x0], $0xffff;
	[tilespmem:s14+$0x780] =	vst v22;
	(pc) =	sbr.rel @p0 .LBB2_2-.Ltmp0, $4  }
0x52: {  	v15 =	vsub.f32 $1.000000000e+00, v10;
	v25 =	vshrl.u32 v9, $0x1;
	v22 =	vmul.f32 v27, v9;
	[tilespmem:s13+$0x880] =	vst v6  }
0x53: {  	v28 =	vmul.f32 v24, v18;
	v27 =	vsel vm0, $0x3F800000, v13;
	(erf) = vrcp.f32 v13;
	[tilespmem:s13+$0x680] =	vst v9  }
0x54: {  	v24 =	vmul.f32 v12, v26;
	(erf) = vrcp.f32 v15;
	v15 =	vshrl.u32 v6, $0x1;
	[tilespmem:s13+$0x800] =	vst v5  }
0x55: {  	s21 =	sadd.s32 $0x10, s21;
	v18 =	vsub.s32 $0x5F3759DF, v25;
	(erf) = vrcp.f32 v27;
	[tilespmem:s13+$0x600] =	vst v23;
	v23 =	vmul.f32 v28, v23  }
0x56: {  	(erf) = vrcp.f32 v22  }
0x57: {  	v56 =	vmul.f32 v12, v24;
	v21 =	vsub.s32 $0x5F3759DF, v21;
	v57 =	vshrl.u32 v16, $0x1  }
0x58: {  	v25 =	vmul.f32 $5.000000000e-01, v16;
	v19 =	vmul.f32 v18, v19;
	v17 =	vsub.s32 $0x5F3759DF, v17  }
0x59: {  	v11 =	vmul.f32 v11, v0;
	v28 =	vmul.f32 v6, v6;
	v22 =	vsub.f32 $1.500000000e+00, v56  }
0x5a: {  	v20 =	vmul.f32 v21, v20;
	v24 =	vsub.s32 $0x5F3759DF, v57;
	v14 =	vmul.f32 v17, v14  }
0x5b: {  	v25 =	vmul.f32 v24, v25;
	v58 =	vmul.f32 v12, v22  }
0x5c: {  	v38 =	vsub.f32 $1.000000000e+00, v16;
	v19 =	vmul.f32 v18, v19;
	v20 =	vmul.f32 v21, v20  }
0x5d: {  	v14 =	vmul.f32 v17, v14;
	v3 =	vmul.f32 v58, v3  }
0x5e: {  	s19 =	sor.u32 $0x380, s19;
	v33 =	vmul.f32 $5.000000000e-01, v6;
	[tilespmem:s13+$0x700] =	vst v23;
	v41 =	vmul.f32 $5.000000000e-01, v38;
	v61 =	vsub.f32 $1.500000000e+00, v19  }
0x5f: {  	v59 =	vmul.f32 v24, v25;
	v20 =	vsub.f32 $1.500000000e+00, v20;
	v14 =	vsub.f32 $1.500000000e+00, v14;
	v60 =	vpop (erf);
	[tilespmem:s19+$0x600] =	vst v3  }
0x60: {  	v13 =	vsub.f32 $1.000000000e+00, v13;
	v12 =	vmul.f32 v18, v61;
	v10 =	vmul.f32 v60, v10;
	[tilespmem:s14+$0x1880] =	vst v7  }
0x61: {  	v39 =	vsub.f32 $1.500000000e+00, v59;
	v62 =	vpop (erf);
	v32 =	vmul.f32 v21, v20;
	v35 =	vmul.f32 v17, v14;
	[tilespmem:s14+$0x1800] =	vst v4  }
0x62: {  	v34 =	vsub.s32 $0x5F3759DF, v15;
	v30 =	vmul.f32 v62, v13;
	v9 =	vmul.f32 v12, v9;
	[tilespmem:s14+$0x1780] =	vst v8  }
0x63: {  	v45 =	vshrl.u32 v38, $0x1;
	v63 =	vpop (erf);
	v15 =	vmul.f32 v24, v39;
	[tilespmem:s14+$0x1700] =	vst v11;
	v4 =	vmul.f32 v34, v33  }
0x64: {  	s16 =	sadd.s32 $0x80, s16;
	v29 =	vsub.f32 $1.000000000e+00, v10;
	v31 =	vpop (erf);
	v36 =	vmul.f32 v63, v16;
	v5 =	vmul.f32 v32, v5;
	[tilespmem:s14+$0x1600] =	vst v2  }
0x65: {  	s29 =	sand.u32 $0xC00, s16;
	v47 =	vsub.s32 $0x5F3759DF, v45;
	[tilespmem:s14+$0x1680] =	vst v0;
	v13 =	vmul.f32 v31, v28;
	v4 =	vmul.f32 v34, v4  }
0x66: {  	s14 =	sor.u32 s17, s29;
	[tilespmem:s13+$0x780] =	vst v9;
	v15 =	vmul.f32 v15, v16;
	v3 =	vmul.f32 v29, v30;
	v40 =	vsub.f32 $1.000000000e+00, v36  }
0x67: {  	[tilespmem:s14+$0x680] =	vst v38;
	v42 =	vshrl.u32 v36, $0x1;
	v43 =	vmul.f32 $5.000000000e-01, v36;
	v4 =	vsub.f32 $1.500000000e+00, v4  }
0x68: {  	[tilespmem:s13+$0x900] =	vst v5;
	v5 =	vmul.f32 v47, v41;
	v17 =	vsub.s32 $0x5F3759DF, v42;
	v37 =	vadd.f32 v3, v3  }
0x69: {  	[tilespmem:s14+$0x600] =	vst v16;
	v48 =	vmul.f32 v17, v43;
	v4 =	vmul.f32 v34, v4  }
0x6a: {  	[tilespmem:s14+$0x800] =	vst v36;
	v46 =	vshrl.u32 v40, $0x1;
	v49 =	vmul.f32 $5.000000000e-01, v40;
	v14 =	vmul.f32 v37, v36  }
0x6b: {  	[tilespmem:s14+$0x700] =	vst v15;
	v5 =	vmul.f32 v47, v5;
	v50 =	vsub.s32 $0x5F3759DF, v46;
	v4 =	vmul.f32 v4, v6  }
0x6c: {  	s30 =	sor.u32 $0x380, s18;
	[tilespmem:s14+$0x880] =	vst v40;
	v44 =	vmul.f32 v14, v38;
	v14 =	vmul.f32 v50, v49  }
0x6d: {  	v51 =	vmul.f32 $5.000000000e-01, v3;
	v52 =	vshrl.u32 v3, $0x1;
	v9 =	vmul.f32 v17, v48;
	[tilespmem:s30+$0x600] =	vst v4  }
0x6e: {  	v53 =	vsub.s32 $0x5F3759DF, v52;
	v5 =	vsub.f32 $1.500000000e+00, v5;
	v54 =	vmul.f32 v50, v14;
	[tilespmem:s13+$0x1880] =	vst v13  }
0x6f: {  	v10 =	vmul.f32 v35, v1;
	v55 =	vmul.f32 v53, v51;
	v9 =	vsub.f32 $1.500000000e+00, v9;
	[tilespmem:s13+$0x1800] =	vst v12  }
0x70: {  	v5 =	vmul.f32 v47, v5;
	(erf) = vrcp.f32 v44;
	[tilespmem:s13+$0x1780] =	vst v32;
	v56 =	vsub.f32 $1.500000000e+00, v54  }
0x71: {  	v57 =	vmul.f32 v53, v55;
	v9 =	vmul.f32 v17, v9;
	[tilespmem:s13+$0x1700] =	vst v10  }
0x72: {  	v2 =	vmul.f32 v5, v38;
	[tilespmem:s13+$0x1600] =	vst v28;
	v6 =	vmul.f32 v50, v56  }
0x73: {  	v61 =	vsub.f32 $1.500000000e+00, v57;
	[tilespmem:s13+$0x1680] =	vst v1;
	v58 =	vmul.f32 v9, v36  }
0x74: {  	s31 =	sor.u32 s16, s15;
	[tilespmem:s14+$0x780] =	vst v2;
	v0 =	vmul.f32 v6, v40  }
0x75: {  	s13 =	sor.u32 $0x380, s31;
	v62 =	vmul.f32 v53, v61;
	[tilespmem:s14+$0x900] =	vst v58  }
0x76: {  	[tilespmem:s13+$0x600] =	vst v0  }
0x77: {  	v63 =	vmul.f32 v62, v3;
	[tilespmem:s14+$0x1800] =	vst v5  }
0x78: {  	v59 =	vmul.f32 v40, v40;
	[tilespmem:s14+$0x1780] =	vst v9  }
0x79: {  	v60 =	vpop (erf);
	[tilespmem:s14+$0x1700] =	vst v63  }
0x7a: {  	s12 =	sadd.s32 $0x1, s12;
	[tilespmem:s14+$0x1600] =	vst v59;
	v1 =	vmul.f32 v60, v59  }
0x7b: {  	p0 =	sne.s32 s12, s6;
	[tilespmem:s14+$0x1680] =	vst v3  }
.Ltmp1:
0x7c: {  	[tilespmem:s14+$0x1880] =	vst v1;
	(pc) =	sbr.rel @p0 .LBB2_1-.Ltmp1, $4  }
0x7d: {  	[hbm4b:s5+s8] =	stream.strided.scatter [tilespmem:s10], [sflag:$0x2], $0x2000, s9, s8, $0x38;
	[tilespmem:$0x2600] =	vst v63  }
0x7e: {  	_ =	swait.ge [sflag:s11], $0x2000  }
0x7f: {  	[sflag:s11] =	ssyncset.done $0x0  }
0x80: {  	[sflag:s11] =	ssyncadd.s32 $0xFFFFE000  }
0x81: {  	_ =	sfence.sel $0x180000  }
0x82: {  	[bflag:$0x0] =	sbarrier.arrive $0xFFFF  }
0x83: {  	p0 =	sne.s32 s2, $0x0;
	_ =	strace $0x90000047  }
0x84: {  	s0 =	sadd.s32 @!p0 $0x100000, s0;
	[bflag:$0x2] =	sbarrier.arrive $0xFFFF  }
0x85: {  	[sflag:s0] =	ssyncadd.tile.s32 @!p0 $0x1;
	_ =	shalt  }
.Lfunc_end2:
_tile_overlayer_lowered:
.L_overlay_start_2:
0x86: {  	(tag) =	ssettag $0x2  }
0x87: {  	s0 =	rddreg [dreg:$0x0];
	s2 =	stileid.u32  }
0x88: {  	s1 =	rddreg [dreg:$0x1];
	p0 =	sne.s32 s2, $0x0  }
0x89: {  	s3 =	rddreg [dreg:$0x2];
	[bflag:$0x3] =	sbarrier.arrive $0xFFFF;
	s2 =	simm.s32 @!p0 $0x1C02  }
0x8a: {  	[timem:s3], [sflag:s2] =	dma.local @!p0 [hbm:s0], s1  }
0x8b: {  	s0 =	simm.s32 @!p0 $0x2  }
0x8c: {  	_ =	swait.ge @!p0 [sflag:s0], s1  }
0x8d: {  	s1 =	ssub.s32 @!p0 $0x0, s1;
	[sflag:s0] =	ssyncset.done @!p0 $0x0  }
0x8e: {  	[sflag:s0] =	ssyncadd.s32 @!p0 s1  }
0x8f: {  	[bflag:$0x3] =	sbarrier.arrive $0xFFFF  }
0x90: {  	_ =	shalt  }

</sc_bundles>
